<compile_context>
chip_gen: v7x
topology: tpu7x:2x2x1
jax: 0.10.2.dev20260603
libtpu: 0.0.44.dev20260713+nightly
codegen_flags: <defaults>
</compile_context>

<pallas_src>
import functools

import jax
import jax.numpy as jnp
from jax import lax
from jax.experimental import pallas as pl
from jax.experimental.pallas import tpu as pltpu
from jax.experimental.pallas import tpu_sc as plsc

N_USERS = 100000
D = 128
N_NODES = 10000
DEG = 32

NW = 32
CHUNK = 128

NSLICE = 1
NS = N_NODES // NSLICE
_RAW = NS * DEG + NS
_NBUF = 6
_Q = NW * CHUNK * _NBUF
_TOT = ((_RAW + _Q - 1) // _Q) * _Q
_PER_W = _TOT // NW
_N_CHUNK = _PER_W // CHUNK

_TC_V1 = True
BN = 200
GRID = NS // BN


_TC_BODY = None


def _sc_gather(idx, table):
    mesh = plsc.VectorSubcoreMesh(core_axis_name="c", subcore_axis_name="s")

    @functools.partial(
        pl.kernel,
        out_type=jax.ShapeDtypeStruct((_TOT, D), jnp.float32),
        mesh=mesh,
        scratch_types=[
            pltpu.VMEM((_PER_W,), jnp.int32),
            pltpu.VMEM((CHUNK, D), jnp.float32),
            pltpu.SemaphoreType.DMA,
        ],
    )
    def gather_kernel(idx_hbm, table_hbm, out_hbm, idx_all, rows_v, sem):
        nc = 2
        wid = lax.axis_index("s") * nc + lax.axis_index("c")
        base = wid * _PER_W
        pltpu.sync_copy(idx_hbm.at[pl.ds(base, _PER_W)], idx_all)

        def body(c, _):
            off = base + c * CHUNK
            pltpu.async_copy(
                table_hbm.at[idx_all.at[pl.ds(c * CHUNK, CHUNK)]],
                rows_v, sem).wait()
            pltpu.sync_copy(rows_v, out_hbm.at[pl.ds(off, CHUNK)])
            return ()

        lax.fori_loop(0, _N_CHUNK, body, ())

    return gather_kernel(idx, table)


def _tc_body_v1(eu_ref, u_ref, w1a_ref, w1b_ref, b1_ref, w2_ref, b2_ref,
                w3r_ref, w3m_ref, out_ref):
    eu = eu_ref[...]
    u = u_ref[...]
    u_part = jnp.dot(u, w1b_ref[...],
                     preferred_element_type=jnp.float32) + b1_ref[...]
    h = jnp.dot(eu, w1a_ref[...], preferred_element_type=jnp.float32)
    h = h.reshape(BN, DEG, D) + u_part[:, None, :]
    h = jnp.maximum(h, 0.0).reshape(BN * DEG, D)
    h = jnp.dot(h, w2_ref[...], preferred_element_type=jnp.float32)
    h = jnp.maximum(h + b2_ref[...], 0.0)
    logits = jnp.sum(h * w3r_ref[...], axis=1).reshape(BN, DEG)
    logits = logits - jnp.max(logits, axis=1, keepdims=True)
    e = jnp.exp(logits)
    att = e / jnp.sum(e, axis=1, keepdims=True)
    w = att[:, :, None] * eu.reshape(BN, DEG, D)
    out_ref[...] = jnp.sum(w, axis=1)


def _tc_body(eu_ref, u_ref, w1a_ref, w1b_ref, b1_ref, w2_ref, b2_ref,
             w3r_ref, w3m_ref, out_ref):
    eu = eu_ref[...]
    u = u_ref[...]
    u_part = jnp.dot(u, w1b_ref[...],
                     preferred_element_type=jnp.float32) + b1_ref[...]
    h = jnp.dot(eu, w1a_ref[...], preferred_element_type=jnp.float32)
    h = h.reshape(BN, DEG, D) + u_part[:, None, :]
    h = jnp.maximum(h, 0.0).reshape(BN * DEG, D)
    h = jnp.dot(h, w2_ref[...], preferred_element_type=jnp.float32)
    h = jnp.maximum(h + b2_ref[...], 0.0)
    l = jnp.dot(h, w3m_ref[...], preferred_element_type=jnp.float32)
    ew = jnp.exp(l)
    num = jnp.sum((ew * eu).reshape(BN, DEG, D), axis=1)
    den = jnp.sum(ew.reshape(BN, DEG, D), axis=1)
    out_ref[...] = num / den


def _tc_call(rows, w1a, w1b, b1r, W2, b2r, w3r, w3m):
    grid_spec = pl.GridSpec(
        grid=(GRID,),
        in_specs=[
            pl.BlockSpec((BN * DEG, D), lambda i: (i, 0)),
            pl.BlockSpec((BN, D), lambda i: (NS * DEG // BN + i, 0)),
            pl.BlockSpec((D, D), lambda i: (0, 0)),
            pl.BlockSpec((D, D), lambda i: (0, 0)),
            pl.BlockSpec((1, D), lambda i: (0, 0)),
            pl.BlockSpec((D, D), lambda i: (0, 0)),
            pl.BlockSpec((1, D), lambda i: (0, 0)),
            pl.BlockSpec((1, D), lambda i: (0, 0)),
            pl.BlockSpec((D, D), lambda i: (0, 0)),
        ],
        out_specs=pl.BlockSpec((BN, D), lambda i: (i, 0)),
    )
    return pl.pallas_call(
        _TC_BODY,
        grid_spec=grid_spec,
        out_shape=jax.ShapeDtypeStruct((NS, D), jnp.float32),
        compiler_params=pltpu.CompilerParams(
            dimension_semantics=("arbitrary",),
        ),
    )(rows, rows, w1a, w1b, b1r, W2, b2r, w3r, w3m)


def kernel(nodes, to_neighs, u2e, W1, b1, W2, b2, W3, b3):
    w1a = W1[:D]
    w1b = W1[D:]
    b1r = b1.reshape(1, D)
    b2r = b2.reshape(1, D)
    w3r = W3.reshape(1, D)
    w3m = jnp.broadcast_to(W3, (D, D))

    pad = jnp.zeros((_TOT - _RAW,), jnp.int32)
    outs = []
    for s in range(NSLICE):
        idx = jnp.concatenate([
            lax.dynamic_slice_in_dim(to_neighs, s * NS, NS, 0).reshape(-1),
            lax.dynamic_slice_in_dim(nodes, s * NS, NS, 0),
            pad,
        ])
        rows = _sc_gather(idx, u2e)
        outs.append(_tc_call(rows, w1a, w1b, b1r, W2, b2r, w3r, w3m))
    return jnp.concatenate(outs, axis=0)

_TC_BODY = _tc_body_v1 if _TC_V1 else _tc_body

# --- scband reference (transcript-rebuilt; emitter-appended) ---
"""Pipeline reference for scband-social-aggregator-53867479826638 (READ-ONLY COPY).

The authoritative reference and input builder live on the scoring server;
editing this copy changes nothing except your own understanding.
"""

import jax, jax.numpy as jnp
import numpy as np

N_USERS = 100000
D = 128
N_NODES = 10000
DEG = 32


def setup_inputs(seed: int = 0) -> dict:
    key = jax.random.key(seed)
    ks = jax.random.split(key, 10)
    nodes = jax.random.randint(ks[0], (N_NODES,), 0, N_USERS, dtype=jnp.int32)
    to_neighs = jax.random.randint(ks[1], (N_NODES, DEG), 0, N_USERS, dtype=jnp.int32)
    u2e = jax.random.normal(ks[2], (N_USERS, D), dtype=jnp.float32) * 0.05
    W1 = jax.random.normal(ks[3], (2 * D, D), dtype=jnp.float32) * (1.0 / np.sqrt(2 * D))
    b1 = jnp.zeros((D,), dtype=jnp.float32)
    W2 = jax.random.normal(ks[4], (D, D), dtype=jnp.float32) * (1.0 / np.sqrt(D))
    b2 = jnp.zeros((D,), dtype=jnp.float32)
    W3 = jax.random.normal(ks[5], (D, 1), dtype=jnp.float32) * (1.0 / np.sqrt(D))
    b3 = jnp.zeros((1,), dtype=jnp.float32)
    return {"nodes": nodes, "to_neighs": to_neighs, "u2e": u2e,
            "W1": W1, "b1": b1, "W2": W2, "b2": b2, "W3": W3, "b3": b3}


def reference(nodes, to_neighs, u2e, W1, b1, W2, b2, W3, b3):
    # Vectorized translation of the per-node python loop: every node has a
    # fixed neighbor list of length DEG (to_neighs[i]).
    e_u = jnp.take(u2e, to_neighs, axis=0)                # [N, DEG, D] gather of neighbor embeddings
    u_rep = jnp.take(u2e, nodes, axis=0)                  # [N, D] gather of self embeddings
    u_tile = jnp.broadcast_to(u_rep[:, None, :], e_u.shape)  # u_rep.repeat(num_neighs, 1)
    x = jnp.concatenate([e_u, u_tile], axis=-1)           # [N, DEG, 2D]
    # Attention MLP (dropout is a no-op in eval mode)
    h = jax.nn.relu(x @ W1 + b1)
    h = jax.nn.relu(h @ W2 + b2)
    logits = h @ W3 + b3                                  # [N, DEG, 1]
    att = jax.nn.softmax(logits, axis=1)                  # softmax over neighbors (dim 0 per node)
    # att_history = e_u.T @ att_w  -> weighted sum of neighbor embeddings
    embed_matrix = jnp.sum(att * e_u, axis=1)             # [N, D]
    return embed_matrix

if __name__ == "__main__":
    import jax
    _d = setup_inputs()
    print(jax.jit(kernel)(*tuple(_d.values())))

</pallas_src>

<mosaic_0001>
#map = affine_map<(d0, d1) -> (0)>
#map1 = affine_map<(d0, d1) -> (0, 0)>
module attributes {stable_mosaic.version = 14 : i64} {
  func.func @gather_kernel(%arg0: i32, %arg1: i32, %arg2: memref<344064xi32, #tpu.memory_space<hbm>>, %arg3: memref<100000x128xf32, #tpu.memory_space<hbm>>, %arg4: memref<344064x128xf32, #tpu.memory_space<hbm>>, %arg5: memref<10752xi32, #tpu.memory_space<vmem>>, %arg6: memref<128x128xf32, #tpu.memory_space<vmem>>, %arg7: memref<!tpu.dma_semaphore, #tpu.memory_space<semaphore_mem>>) attributes {dimension_semantics = [#tpu.dimension_semantics<core_parallel>, #tpu.dimension_semantics<subcore_parallel>], iteration_bounds = array<i64: 2, 16>, scalar_prefetch = 0 : i64, scratch_operands = 3 : i64, tpu.core_type = #tpu.core_type<sc_vector_subcore>, window_params = [{transform_indices = #map}, {transform_indices = #map1}, {transform_indices = #map1}]} {
    %mul3A = arith.constant 2 : i32
    %mul3A_0 = arith.muli %arg1, %mul3A : i32
    %add3A = arith.addi %mul3A_0, %arg0 : i32
    %mul3A_1 = arith.constant 10752 : i32
    %mul3A_2 = arith.muli %add3A, %mul3A_1 : i32
    "tpu.region"() ({
      %run_scoped3A = tpu.sem_alloc : memref<!tpu.dma_semaphore, #tpu.memory_space<semaphore_mem>>
      %dma_start3A = tpu.memref_slice %arg2[%mul3A_2] : memref<344064xi32, #tpu.memory_space<hbm>> -> memref<10752xi32, #tpu.memory_space<hbm>>
      %dma_start3A_7 = tpu.memref_slice %arg2[%mul3A_2] : memref<344064xi32, #tpu.memory_space<hbm>> -> memref<10752xi32, #tpu.memory_space<hbm>>
      tpu.enqueue_dma source(%dma_start3A_7 : memref<10752xi32, #tpu.memory_space<hbm>>) target(%arg5 : memref<10752xi32, #tpu.memory_space<vmem>>) target_semaphore(%run_scoped3A : memref<!tpu.dma_semaphore, #tpu.memory_space<semaphore_mem>>)
      %dma_wait3A = tpu.memref_slice %arg2[%mul3A_2] : memref<344064xi32, #tpu.memory_space<hbm>> -> memref<10752xi32, #tpu.memory_space<hbm>>
      %dma_wait3A_8 = tpu.memref_slice %arg2[%mul3A_2] : memref<344064xi32, #tpu.memory_space<hbm>> -> memref<10752xi32, #tpu.memory_space<hbm>>
      tpu.wait_dma2 semaphore(%run_scoped3A : memref<!tpu.dma_semaphore, #tpu.memory_space<semaphore_mem>>) src(%dma_wait3A_8 : memref<10752xi32, #tpu.memory_space<hbm>>) dst(%arg5 : memref<10752xi32, #tpu.memory_space<vmem>>)
      tpu.yield
    }) : () -> ()
    %scan3A = arith.constant 0 : i32
    %scan3A_3 = arith.constant 84 : i32
    %scan3A_4 = arith.addi %scan3A, %scan3A_3 : i32
    %scan3A_5 = arith.constant 1 : i32
    scf.for %scan3A_7 = %scan3A to %scan3A_4 step %scan3A_5  : i32 {
      %mul3A_8 = arith.constant 128 : i32
      %mul3A_9 = arith.muli %scan3A_7, %mul3A_8 : i32
      %add3A_10 = arith.addi %mul3A_2, %mul3A_9 : i32
      %mul3A_11 = arith.constant 128 : i32
      %mul3A_12 = arith.muli %scan3A_7, %mul3A_11 : i32
      %dma_start3A = tpu.memref_slice %arg5[%mul3A_12] : memref<10752xi32, #tpu.memory_space<vmem>> -> memref<128xi32, #tpu.memory_space<vmem>>
      %dma_start3A_13 = arith.constant 0 : i32
      %dma_start3A_14 = arith.constant 0 : i32
      %dma_start3A_15 = tpu.memref_slice %arg3[%dma_start3A_13, %dma_start3A_14] : memref<100000x128xf32, #tpu.memory_space<hbm>> -> memref<100000x128xf32, #tpu.memory_space<hbm>>
      tpu.enqueue_indirect_dma source(%dma_start3A_15 : memref<100000x128xf32, #tpu.memory_space<hbm>>) target(%arg6 : memref<128x128xf32, #tpu.memory_space<vmem>>) offsets(%dma_start3A : memref<128xi32, #tpu.memory_space<vmem>>) semaphore(%arg7 : memref<!tpu.dma_semaphore, #tpu.memory_space<semaphore_mem>>)
      %dma_wait3A = tpu.memref_slice %arg5[%mul3A_12] : memref<10752xi32, #tpu.memory_space<vmem>> -> memref<128xi32, #tpu.memory_space<vmem>>
      %dma_wait3A_16 = arith.constant 0 : i32
      %dma_wait3A_17 = arith.constant 0 : i32
      %dma_wait3A_18 = tpu.memref_slice %arg3[%dma_wait3A_16, %dma_wait3A_17] : memref<100000x128xf32, #tpu.memory_space<hbm>> -> memref<100000x128xf32, #tpu.memory_space<hbm>>
      tpu.wait_indirect_dma semaphore(%arg7 : memref<!tpu.dma_semaphore, #tpu.memory_space<semaphore_mem>>) src(%dma_wait3A_18 : memref<100000x128xf32, #tpu.memory_space<hbm>>) dst(%arg6 : memref<128x128xf32, #tpu.memory_space<vmem>>)
      "tpu.region"() ({
        %run_scoped3A = tpu.sem_alloc : memref<!tpu.dma_semaphore, #tpu.memory_space<semaphore_mem>>
        %dma_start3A_19 = arith.constant 0 : i32
        %dma_start3A_20 = tpu.memref_slice %arg4[%add3A_10, %dma_start3A_19] : memref<344064x128xf32, #tpu.memory_space<hbm>> -> memref<128x128xf32, #tpu.memory_space<hbm>>
        %dma_start3A_21 = arith.constant 0 : i32
        %dma_start3A_22 = tpu.memref_slice %arg4[%add3A_10, %dma_start3A_21] : memref<344064x128xf32, #tpu.memory_space<hbm>> -> memref<128x128xf32, #tpu.memory_space<hbm>>
        tpu.enqueue_dma source(%arg6 : memref<128x128xf32, #tpu.memory_space<vmem>>) target(%dma_start3A_22 : memref<128x128xf32, #tpu.memory_space<hbm>>) target_semaphore(%run_scoped3A : memref<!tpu.dma_semaphore, #tpu.memory_space<semaphore_mem>>)
        %dma_wait3A_23 = arith.constant 0 : i32
        %dma_wait3A_24 = tpu.memref_slice %arg4[%add3A_10, %dma_wait3A_23] : memref<344064x128xf32, #tpu.memory_space<hbm>> -> memref<128x128xf32, #tpu.memory_space<hbm>>
        %dma_wait3A_25 = arith.constant 0 : i32
        %dma_wait3A_26 = tpu.memref_slice %arg4[%add3A_10, %dma_wait3A_25] : memref<344064x128xf32, #tpu.memory_space<hbm>> -> memref<128x128xf32, #tpu.memory_space<hbm>>
        tpu.wait_dma2 semaphore(%run_scoped3A : memref<!tpu.dma_semaphore, #tpu.memory_space<semaphore_mem>>) src(%arg6 : memref<128x128xf32, #tpu.memory_space<vmem>>) dst(%dma_wait3A_26 : memref<128x128xf32, #tpu.memory_space<hbm>>)
        tpu.yield
      }) : () -> ()
    }
    %scan3A_6 = arith.constant 84 : i32
    return
  }
}

module attributes {stable_mosaic.version = 14 : i64} {
  func.func @_tc_body_v1(%arg0: i32, %arg1: memref<6400x128xf32, #tpu.memory_space<vmem>>, %arg2: memref<200x128xf32, #tpu.memory_space<vmem>>, %arg3: memref<128x128xf32, #tpu.memory_space<vmem>>, %arg4: memref<128x128xf32, #tpu.memory_space<vmem>>, %arg5: memref<1x128xf32, #tpu.memory_space<vmem>>, %arg6: memref<128x128xf32, #tpu.memory_space<vmem>>, %arg7: memref<1x128xf32, #tpu.memory_space<vmem>>, %arg8: memref<1x128xf32, #tpu.memory_space<vmem>>, %arg9: memref<128x128xf32, #tpu.memory_space<vmem>>, %arg10: memref<200x128xf32, #tpu.memory_space<vmem>>) attributes {dimension_semantics = [#tpu.dimension_semantics<arbitrary>], iteration_bounds = array<i64: 50>, scalar_prefetch = 0 : i64, scratch_operands = 0 : i64, tpu.core_type = #tpu.core_type<tc>, window_params = [{transform_indices = @transform_0, window_bounds = array<i64: 6400, 128>}, {transform_indices = @transform_1, window_bounds = array<i64: 200, 128>}, {pipeline_mode = #tpu.pipeline_mode<synchronous>, transform_indices = @transform_2, window_bounds = array<i64: 128, 128>}, {pipeline_mode = #tpu.pipeline_mode<synchronous>, transform_indices = @transform_3, window_bounds = array<i64: 128, 128>}, {pipeline_mode = #tpu.pipeline_mode<synchronous>, transform_indices = @transform_4, window_bounds = array<i64: 1, 128>}, {pipeline_mode = #tpu.pipeline_mode<synchronous>, transform_indices = @transform_5, window_bounds = array<i64: 128, 128>}, {pipeline_mode = #tpu.pipeline_mode<synchronous>, transform_indices = @transform_6, window_bounds = array<i64: 1, 128>}, {pipeline_mode = #tpu.pipeline_mode<synchronous>, transform_indices = @transform_7, window_bounds = array<i64: 1, 128>}, {pipeline_mode = #tpu.pipeline_mode<synchronous>, transform_indices = @transform_8, window_bounds = array<i64: 128, 128>}, {transform_indices = @transform_9, window_bounds = array<i64: 200, 128>}]} {
    %get3A = arith.constant 0 : index
    %get3A_0 = arith.constant 0 : index
    %get3A_1 = vector.load %arg1[%get3A, %get3A_0] : memref<6400x128xf32, #tpu.memory_space<vmem>>, vector<6400x128xf32>
    %get3A_2 = arith.constant 0 : index
    %get3A_3 = arith.constant 0 : index
    %get3A_4 = vector.load %arg2[%get3A_2, %get3A_3] : memref<200x128xf32, #tpu.memory_space<vmem>>, vector<200x128xf32>
    %get3A_5 = arith.constant 0 : index
    %get3A_6 = arith.constant 0 : index
    %get3A_7 = vector.load %arg4[%get3A_5, %get3A_6] : memref<128x128xf32, #tpu.memory_space<vmem>>, vector<128x128xf32>
    %dot_general3A = arith.constant dense<0.000000e+00> : vector<200x128xf32>
    %dot_general3A_8 = tpu.matmul %get3A_4, %get3A_7, %dot_general3A {dimension_numbers = #tpu.dot_dimension_numbers<[1], [0], [0], [1], [0, 0, 1, 1], [], []>, transpose_lhs_hint = false} : vector<200x128xf32>, vector<128x128xf32>, vector<200x128xf32> -> vector<200x128xf32>
    %get3A_9 = arith.constant 0 : index
    %get3A_10 = arith.constant 0 : index
    %get3A_11 = vector.load %arg5[%get3A_9, %get3A_10] : memref<1x128xf32, #tpu.memory_space<vmem>>, vector<1x128xf32>
    %add3A = vector.broadcast %get3A_11 : vector<1x128xf32> to vector<200x128xf32>
    %add3A_12 = arith.addf %dot_general3A_8, %add3A : vector<200x128xf32>
    %get3A_13 = arith.constant 0 : index
    %get3A_14 = arith.constant 0 : index
    %get3A_15 = vector.load %arg3[%get3A_13, %get3A_14] : memref<128x128xf32, #tpu.memory_space<vmem>>, vector<128x128xf32>
    %dot_general3A_16 = arith.constant dense<0.000000e+00> : vector<6400x128xf32>
    %dot_general3A_17 = tpu.matmul %get3A_1, %get3A_15, %dot_general3A_16 {dimension_numbers = #tpu.dot_dimension_numbers<[1], [0], [0], [1], [0, 0, 1, 1], [], []>, transpose_lhs_hint = false} : vector<6400x128xf32>, vector<128x128xf32>, vector<6400x128xf32> -> vector<6400x128xf32>
    %reshape3A = vector.shape_cast %dot_general3A_17 : vector<6400x128xf32> to vector<200x32x128xf32>
    %broadcast_in_dim3A = vector.shape_cast %add3A_12 : vector<200x128xf32> to vector<200x1x128xf32>
    %add3A_18 = vector.broadcast %broadcast_in_dim3A : vector<200x1x128xf32> to vector<200x32x128xf32>
    %add3A_19 = arith.addf %reshape3A, %add3A_18 : vector<200x32x128xf32>
    %max3A = arith.constant 0.000000e+00 : f32
    %max3A_20 = vector.broadcast %max3A : f32 to vector<200x32x128xf32>
    %max3A_21 = arith.maximumf %add3A_19, %max3A_20 : vector<200x32x128xf32>
    %reshape3A_22 = vector.shape_cast %max3A_21 : vector<200x32x128xf32> to vector<6400x128xf32>
    %get3A_23 = arith.constant 0 : index
    %get3A_24 = arith.constant 0 : index
    %get3A_25 = vector.load %arg6[%get3A_23, %get3A_24] : memref<128x128xf32, #tpu.memory_space<vmem>>, vector<128x128xf32>
    %dot_general3A_26 = arith.constant dense<0.000000e+00> : vector<6400x128xf32>
    %dot_general3A_27 = tpu.matmul %reshape3A_22, %get3A_25, %dot_general3A_26 {dimension_numbers = #tpu.dot_dimension_numbers<[1], [0], [0], [1], [0, 0, 1, 1], [], []>, transpose_lhs_hint = false} : vector<6400x128xf32>, vector<128x128xf32>, vector<6400x128xf32> -> vector<6400x128xf32>
    %get3A_28 = arith.constant 0 : index
    %get3A_29 = arith.constant 0 : index
    %get3A_30 = vector.load %arg7[%get3A_28, %get3A_29] : memref<1x128xf32, #tpu.memory_space<vmem>>, vector<1x128xf32>
    %add3A_31 = vector.broadcast %get3A_30 : vector<1x128xf32> to vector<6400x128xf32>
    %add3A_32 = arith.addf %dot_general3A_27, %add3A_31 : vector<6400x128xf32>
    %max3A_33 = arith.constant 0.000000e+00 : f32
    %max3A_34 = vector.broadcast %max3A_33 : f32 to vector<6400x128xf32>
    %max3A_35 = arith.maximumf %add3A_32, %max3A_34 : vector<6400x128xf32>
    %get3A_36 = arith.constant 0 : index
    %get3A_37 = arith.constant 0 : index
    %get3A_38 = vector.load %arg8[%get3A_36, %get3A_37] : memref<1x128xf32, #tpu.memory_space<vmem>>, vector<1x128xf32>
    %mul3A = vector.broadcast %get3A_38 : vector<1x128xf32> to vector<6400x128xf32>
    %mul3A_39 = arith.mulf %max3A_35, %mul3A : vector<6400x128xf32>
    %reduce_sum3A = arith.constant dense<0.000000e+00> : vector<6400xf32>
    %reduce_sum3A_40 = vector.multi_reduction <add>, %mul3A_39, %reduce_sum3A [1] : vector<6400x128xf32> to vector<6400xf32>
    %reshape3A_41 = vector.shape_cast %reduce_sum3A_40 : vector<6400xf32> to vector<200x32xf32>
    %reduce_max3A = arith.constant dense<0xFF800000> : vector<200xf32>
    %reduce_max3A_42 = vector.multi_reduction <maximumf>, %reshape3A_41, %reduce_max3A [1] : vector<200x32xf32> to vector<200xf32>
    %broadcast_in_dim3A_43 = vector.shape_cast %reduce_max3A_42 : vector<200xf32> to vector<200x1xf32>
    %sub3A = vector.broadcast %broadcast_in_dim3A_43 : vector<200x1xf32> to vector<200x32xf32>
    %sub3A_44 = arith.subf %reshape3A_41, %sub3A : vector<200x32xf32>
    %exp3A = math.exp %sub3A_44 : vector<200x32xf32>
    %reduce_sum3A_45 = arith.constant dense<0.000000e+00> : vector<200xf32>
    %reduce_sum3A_46 = vector.multi_reduction <add>, %exp3A, %reduce_sum3A_45 [1] : vector<200x32xf32> to vector<200xf32>
    %broadcast_in_dim3A_47 = vector.shape_cast %reduce_sum3A_46 : vector<200xf32> to vector<200x1xf32>
    %div3A = vector.broadcast %broadcast_in_dim3A_47 : vector<200x1xf32> to vector<200x32xf32>
    %div3A_48 = arith.divf %exp3A, %div3A : vector<200x32xf32>
    %broadcast_in_dim3A_49 = vector.shape_cast %div3A_48 : vector<200x32xf32> to vector<200x32x1xf32>
    %reshape3A_50 = vector.shape_cast %get3A_1 : vector<6400x128xf32> to vector<200x32x128xf32>
    %mul3A_51 = vector.broadcast %broadcast_in_dim3A_49 : vector<200x32x1xf32> to vector<200x32x128xf32>
    %mul3A_52 = arith.mulf %mul3A_51, %reshape3A_50 : vector<200x32x128xf32>
    %reduce_sum3A_53 = arith.constant dense<0.000000e+00> : vector<200x128xf32>
    %reduce_sum3A_54 = vector.multi_reduction <add>, %mul3A_52, %reduce_sum3A_53 [1] : vector<200x32x128xf32> to vector<200x128xf32>
    %swap3A = arith.constant 0 : index
    %swap3A_55 = arith.constant 0 : index
    %swap3A_56 = vector.load %arg10[%swap3A, %swap3A_55] : memref<200x128xf32, #tpu.memory_space<vmem>>, vector<200x128xf32>
    tpu.vector_store %arg10[%swap3A, %swap3A_55], %reduce_sum3A_54 {strides = array<i32>} : memref<200x128xf32, #tpu.memory_space<vmem>>, vector<200x128xf32>,
    return
  }
  func.func @transform_0(%arg0: i32) -> (i32, i32) {
    %c0_i32 = arith.constant 0 : i32
    %c0_i32_0 = arith.constant 0 : i32
    return %arg0, %c0_i32 : i32, i32
  }
  func.func @transform_1(%arg0: i32) -> (i32, i32) {
    %add3A = arith.constant 1600 : i32
    %add3A_0 = arith.addi %add3A, %arg0 : i32
    %c0_i32 = arith.constant 0 : i32
    %c0_i32_1 = arith.constant 0 : i32
    return %add3A_0, %c0_i32 : i32, i32
  }
  func.func @transform_2(%arg0: i32) -> (i32, i32) {
    %c0_i32 = arith.constant 0 : i32
    %c0_i32_0 = arith.constant 0 : i32
    %c0_i32_1 = arith.constant 0 : i32
    return %c0_i32, %c0_i32_0 : i32, i32
  }
  func.func @transform_3(%arg0: i32) -> (i32, i32) {
    %c0_i32 = arith.constant 0 : i32
    %c0_i32_0 = arith.constant 0 : i32
    %c0_i32_1 = arith.constant 0 : i32
    return %c0_i32, %c0_i32_0 : i32, i32
  }
  func.func @transform_4(%arg0: i32) -> (i32, i32) {
    %c0_i32 = arith.constant 0 : i32
    %c0_i32_0 = arith.constant 0 : i32
    %c0_i32_1 = arith.constant 0 : i32
    return %c0_i32, %c0_i32_0 : i32, i32
  }
  func.func @transform_5(%arg0: i32) -> (i32, i32) {
    %c0_i32 = arith.constant 0 : i32
    %c0_i32_0 = arith.constant 0 : i32
    %c0_i32_1 = arith.constant 0 : i32
    return %c0_i32, %c0_i32_0 : i32, i32
  }
  func.func @transform_6(%arg0: i32) -> (i32, i32) {
    %c0_i32 = arith.constant 0 : i32
    %c0_i32_0 = arith.constant 0 : i32
    %c0_i32_1 = arith.constant 0 : i32
    return %c0_i32, %c0_i32_0 : i32, i32
  }
  func.func @transform_7(%arg0: i32) -> (i32, i32) {
    %c0_i32 = arith.constant 0 : i32
    %c0_i32_0 = arith.constant 0 : i32
    %c0_i32_1 = arith.constant 0 : i32
    return %c0_i32, %c0_i32_0 : i32, i32
  }
  func.func @transform_8(%arg0: i32) -> (i32, i32) {
    %c0_i32 = arith.constant 0 : i32
    %c0_i32_0 = arith.constant 0 : i32
    %c0_i32_1 = arith.constant 0 : i32
    return %c0_i32, %c0_i32_0 : i32, i32
  }
  func.func @transform_9(%arg0: i32) -> (i32, i32) {
    %c0_i32 = arith.constant 0 : i32
    %c0_i32_0 = arith.constant 0 : i32
    return %arg0, %c0_i32 : i32, i32
  }
}

</mosaic_0001>

<sc_bundles>
// kernel: kernel.4.cloned.1.call-start
scs
__scs_entry_jumppad:
0x0: {  	(pc) =	sbr.rel $0x88, $3  }
0x1: {  	(tag) =	ssettag $0x0;
	lr =	simm.s32 $0x1  }
0x2: {  	[smem:$0x3F99] =	sst lr;
	_ =	strace $0xD0000000  }
0x3: {  	_ = 	snop  }
0x4: {  	_ = 	snop  }
0x5: {  	_ = 	snop  }
0x6: {  	_ = 	snop  }
0x7: {  	_ = 	snop  }
__scs_overlays_trampoline_lowered:
0x8: {  	[smem:$0x3FA8] =	sst s0  }
0x9: {  	[smem:$0x3FA9] =	sst s1  }
0xa: {  	[smem:$0x3FAA] =	sst s2  }
0xb: {  	[smem:$0x3FAB] =	sst s3  }
0xc: {  	[smem:$0x3FAC] =	sst s4  }
0xd: {  	[smem:$0x3FAD] =	sst s5  }
0xe: {  	[smem:$0x3FAE] =	sst s6  }
0xf: {  	[smem:$0x3FAF] =	sst s7  }
0x10: {  	[smem:$0x3FB0] =	sst s8  }
0x11: {  	[smem:$0x3FB1] =	sst s9;
	s0 =	simm.s32 @!p0 $0x0  }
0x12: {  	s1 =	sld [smem:$0x3F97];
	s0 =	simm.s32 @p0 $0x1  }
0x13: {  	[smem:$0x3FB2] =	sst s0;
	s0 =	simm.s32 @!p1 $0x0  }
0x14: {  	s2 =	sld [smem:$0x3F96];
	s0 =	simm.s32 @p1 $0x1  }
0x15: {  	[smem:$0x3FB3] =	sst s0;
	s0 =	simm.s32 @!p2 $0x0  }
0x16: {  	s3 =	sld [smem:$0x3FDB];
	s0 =	simm.s32 @p2 $0x1  }
0x17: {  	s4 =	simm.s32 $0x1BF5;
	[smem:$0x3FB5] =	sst s0  }
0x18: {  	s0 =	sld [smem:$0x3F98];
	_ =	swait.ge [sflag:s4], $0x0  }
0x19: {  	s7 =	sld [smem:$0x3F99]  }
0x1a: {  	s8 =	sadd.s32 $0xFFFFE003, lr  }
0x1b: {  	s9 =	sadd.s32 $0xFFFFFEF7, lr;
	s5 =	simm.s32 $0xFFFFFFFF;
	p2 =	slt.u32 s8, $0xFFFFF086  }
0x1c: {  	p1 =	slt.u32 s9, $0xF7A;
	s5 =	simm.s32 @!p2 $0x0  }
0x1d: {  	s5 =	simm.s32 @p1 $0x1;
	p0 =	seq.s32 s7, s2  }
0x1e: {  	s7 =	smul.u32 @!p0 $0xF7A, s2;
	p2 =	seq.s32 @!p0 s5, $0x0  }
0x1f: {  	s9 =	smul.u32 $0xF7A, s1;
	s8 =	simm.s32 @!p0 $0x1BF5;
	p2 =	por !p2, p0  }
0x20: {  	[sflag:s8] =	ssyncset.s32 @!p0 $0xFFFFF086;
	s6 =	sadd.s32 @!p0 s3, s7;
	s7 =	simm.s32 @!p0 $0x108  }
0x21: {  	s3 =	sadd.s32 s3, s9;
	s6 =	sadd.s32 @!p0 $0x88, s6;
	s7 =	simm.s32 @p2 $0x1082  }
0x22: {  	[simem:s7], [sflag:s8] =	dma.local @!p0 [hbm:s6], $0xF7A  }
0x23: {  	s9 =	sor.u32 $0xD0000000, s2;
	s6 =	simm.s32 $0x108;
	_ =	swait.ge @!p0 [sflag:s8], $0x0  }
0x24: {  	s3 =	sadd.s32 $0x88, s3;
	s6 =	simm.s32 @!p1 $0x1082;
	[sflag:s4] =	ssyncset.s32 $0xFFFFF086  }
0x25: {  	[simem:s6], [sflag:s4] =	dma.local [hbm:s3], $0xF7A  }
0x26: {  	[smem:$0x3F99] =	sst s1;
	(tag) =	ssettag s2;
	_ =	strace s9  }
0x27: {  	s1 =	sld [smem:$0x3FA9]  }
0x28: {  	s2 =	sld [smem:$0x3FAA]  }
0x29: {  	s4 =	sld [smem:$0x3FAC]  }
0x2a: {  	p0 =	seq.s32 s5, $0x0;
	s5 =	sld [smem:$0x3FAD]  }
0x2b: {  	s6 =	sld [smem:$0x3FAE]  }
0x2c: {  	s7 =	sld [smem:$0x3FAF]  }
0x2d: {  	s3 =	simm.s32 $0x108;
	s8 =	sld [smem:$0x3FB0]  }
0x2e: {  	s3 =	simm.s32 @!p0 $0x1082;
	s9 =	sld [smem:$0x3FB1]  }
0x2f: {  	lr =	sadd.s32 s0, s3;
	s0 =	sld [smem:$0x3FA8]  }
0x30: {  	s3 =	sld [smem:$0x3FAB]  }
0x31: {  	[smem:$0x3FB4] =	sst s10  }
0x32: {  	s10 =	sld [smem:$0x3FB2];
	_ =	sdelay $0x3  }
0x33: {  	p0 =	seq.s32 s10, $0x1;
	s10 =	sld [smem:$0x3FB4];
	_ =	sdelay $0x3  }
0x34: {  	[smem:$0x3FB4] =	sst s10  }
0x35: {  	s10 =	sld [smem:$0x3FB3];
	_ =	sdelay $0x3  }
0x36: {  	p1 =	seq.s32 s10, $0x1;
	s10 =	sld [smem:$0x3FB4];
	_ =	sdelay $0x3  }
0x37: {  	[smem:$0x3FB4] =	sst s10  }
0x38: {  	s10 =	sld [smem:$0x3FB5]  }
0x39: {  	_ = 	snop;
	(pc) =	sbr.ind lr, $3  }
0x3a: {  	_ = 	snop  }
0x3b: {  	_ = 	snop  }
0x3c: {  	p2 =	seq.s32 s10, $0x1;
	s10 =	sld [smem:$0x3FB4]  }
0x3d: {  	_ =	shalt  }
0x3e: {  	_ =	shalt  }
0x3f: {  	_ =	shalt  }
0x40: {  	_ =	shalt  }
0x41: {  	_ =	shalt  }
0x42: {  	_ =	shalt  }
0x43: {  	_ =	shalt  }
0x44: {  	_ =	shalt  }
0x45: {  	_ =	shalt  }
0x46: {  	_ =	shalt  }
0x47: {  	_ =	shalt  }
0x48: {  	_ =	shalt  }
0x49: {  	_ =	shalt  }
0x4a: {  	_ =	shalt  }
0x4b: {  	_ =	shalt  }
0x4c: {  	_ =	shalt  }
0x4d: {  	_ =	shalt  }
0x4e: {  	_ =	shalt  }
0x4f: {  	_ =	shalt  }
0x50: {  	_ =	shalt  }
0x51: {  	_ =	shalt  }
0x52: {  	_ =	shalt  }
0x53: {  	_ =	shalt  }
0x54: {  	_ =	shalt  }
0x55: {  	_ =	shalt  }
0x56: {  	_ =	shalt  }
0x57: {  	_ =	shalt  }
0x58: {  	_ =	shalt  }
0x59: {  	_ =	shalt  }
0x5a: {  	_ =	shalt  }
0x5b: {  	_ =	shalt  }
0x5c: {  	_ =	shalt  }
0x5d: {  	_ =	shalt  }
0x5e: {  	_ =	shalt  }
0x5f: {  	_ =	shalt  }
0x60: {  	_ =	shalt  }
0x61: {  	_ =	shalt  }
0x62: {  	_ =	shalt  }
0x63: {  	_ =	shalt  }
0x64: {  	_ =	shalt  }
0x65: {  	_ =	shalt  }
0x66: {  	_ =	shalt  }
0x67: {  	_ =	shalt  }
0x68: {  	_ =	shalt  }
0x69: {  	_ =	shalt  }
0x6a: {  	_ =	shalt  }
0x6b: {  	_ =	shalt  }
0x6c: {  	_ =	shalt  }
0x6d: {  	_ =	shalt  }
0x6e: {  	_ =	shalt  }
0x6f: {  	_ =	shalt  }
0x70: {  	_ =	shalt  }
0x71: {  	_ =	shalt  }
0x72: {  	_ =	shalt  }
0x73: {  	_ =	shalt  }
0x74: {  	_ =	shalt  }
0x75: {  	_ =	shalt  }
0x76: {  	_ =	shalt  }
0x77: {  	_ =	shalt  }
0x78: {  	_ =	shalt  }
0x79: {  	_ =	shalt  }
0x7a: {  	_ =	shalt  }
0x7b: {  	_ =	shalt  }
0x7c: {  	_ =	shalt  }
0x7d: {  	_ =	shalt  }
0x7e: {  	_ =	shalt  }
0x7f: {  	_ =	shalt  }
0x80: {  	_ =	shalt  }
0x81: {  	_ =	shalt  }
0x82: {  	_ =	shalt  }
0x83: {  	_ =	shalt  }
0x84: {  	_ =	shalt  }
0x85: {  	_ =	shalt  }
0x86: {  	_ =	shalt  }
0x87: {  	_ =	shalt  }
.Lfunc_end0:
.L_simem_size_0:
called_computation_lowered:
.L_overlay_start_0:
0x88: {  	s2 =	sld [smem:$0x3FD9]  }
0x89: {  	s3 =	sld [smem:$0x3FFE];
	_ =	sdelay $0x1  }
0x8a: {  	s1 =	srdreg.scid  }
0x8b: {  	s0 =	sand.u32 $0x1, s1  }
0x8c: {  	s17 =	sshll.u32 s0, $0xA;
	s2 =	sadd.s32 s3, s2  }
0x8d: {  	s2 =	sadd.s32 s2, s17  }
0x8e: {  	[smem:$0x3FC0] =	sst s2  }
0x8f: {  	_ = 	snop  }
0x90: {  	s2 =	sld [smem:$0x3FC7]  }
0x91: {  	s18 =	sld [smem:$0x3FD0];
	(tm) =	ssettm $0x1  }
0x92: {  	s4 =	sld [smem:$0x3FFB];
	_ =	sdelay $0x3  }
0x93: {  	_ =	strace s4  }
0x94: {  	s4 =	sld [smem:$0x3FFC];
	_ =	sdelay $0x3  }
0x95: {  	_ =	strace s4  }
0x96: {  	s4 =	sld [smem:$0x3FFD];
	_ =	sdelay $0x3  }
0x97: {  	_ =	strace s4  }
0x98: {  	_ =	strace $0x8FFFFFFF  }
0x99: {  	s19 =	sld [smem:$0x3FDB];
	_ =	sdelay $0x1  }
0x9a: {  	s5 =	simm.s32 $_scs_section_size  }
0x9b: {  	s6 =	simm.s32 $_size__tile_overlayer_lowered;
	s7 =	simm.s32 $_tile_overlayer_lowered  }
0x9c: {  	s22 =	simm.s32 $0x1BFF;
	s21 =	sshll.u32 s7, $0x1;
	s4 =	sadd.s32 s5, s19  }
0x9d: {  	s8 =	simm.s32 $0x0;
	s20 =	sshll.u32 s6, $0x1;
	s6 =	sadd.s32 s21, s4  }
0x9e: {  	[timem:s8], [sflag:s22] =	dma.local [hbm:s6], s20  }
0x9f: {  	_ =	swait.ge [sflag:s22], s20  }
0xa0: {  	s5 =	ssub.s32 $0x0, s20;
	[sflag:s22] =	ssyncset.done $0x0  }
0xa1: {  	[sflag:s22] =	ssyncadd.s32 s5;
	_ =	sdelay $0x1  }
0xa2: {  	s23 =	simm.s32 $0x1B8B  }
0xa3: {  	_ =	swait.ge [sflag:s23], $0x1  }
0xa4: {  	[sflag:s23] =	ssyncset.done $0x0  }
0xa5: {  	s25 =	simm.s32 $0x1B8E;
	s24 =	sld [smem:$0x3FFE];
	[sflag:s23] =	ssyncadd.s32 $0xFFFFFFFF  }
0xa6: {  	s26 =	simm.s32 $execute0_lowered;
	[smem:$0x3FD2] =	sst s25  }
0xa7: {  	s6 =	sshll.u32 s26, $0x1;
	_ =	strace $0x80000046;
	[dreg:$0x1] =	wrdreg $0xFFFFFFFF  }
0xa8: {  	s28 =	simm.s32 $_size_execute0_lowered;
	s4 =	sadd.s32 s4, s6;
	[dreg:$0x0] =	wrdreg $0x0  }
0xa9: {  	s6 =	sshll.u32 s28, $0x1;
	[dreg:$0x2] =	wrdreg s4  }
0xaa: {  	[dreg:$0x3] =	wrdreg s6  }
0xab: {  	[dreg:$0x4] =	wrdreg $0xC0  }
0xac: {  	_ =	task [dreg:s8], $0x5FFFF  }
0xad: {  	[dreg:$0x1] =	wrdreg $0xFFFFFFFF  }
0xae: {  	[dreg:$0x0] =	wrdreg $0x60  }
0xaf: {  	[dreg:$0x2] =	wrdreg s18  }
0xb0: {  	[dreg:$0x3] =	wrdreg s2  }
0xb1: {  	[dreg:$0x4] =	wrdreg s24  }
0xb2: {  	[dreg:$0x5] =	wrdreg $0x9  }
0xb3: {  	_ =	task.clear_ibuf [dreg:s8], $0x6FFFF;
	_ =	strace $0x90000046  }
0xb4: {  	s29 =	simm.s32 $0x9;
	_ =	strace $0x80000048  }
0xb5: {  	_ =	swait.ge [sflag:s29], $0x1  }
0xb6: {  	[sflag:s29] =	ssyncadd.s32 $0xFFFFFFFF  }
0xb7: {  	_ =	strace $0x90000048  }
0xb8: {  	_ =	sfence  }
0xb9: {  	s30 =	sld [smem:$0x0];
	_ =	sdelay $0x2  }
0xba: {  	s31 =	sshll.u32 s1, $0xD;
	s1 =	sshrl.u32 s1, $0x2  }
0xbb: {  	s3 =	sand.u32 $0x4000, s31;
	s1 =	sadd.s32 s1, s30  }
0xbc: {  	s0 =	sor.u32 s3, s0;
	s1 =	sshll.u32 s1, $0x11  }
0xbd: {  	s0 =	sor.u32 s1, s0  }
0xbe: {  	s0 =	sadd.s32 $0x8F2B, s0  }
0xbf: {  	[sflag:s0] =	ssyncadd.remote.s32 $0x1  }
0xc0: {  	_ =	sfence.sel $0xFFFF  }
0xc1: {  	[dreg:$0x0] =	wrdreg $0xFFFFFFFF;
	(pc) =	sbr.abs _section_cstart, $3  }
0xc2: {  	[dreg:$0x1] =	wrdreg $0xFFFFFFFF  }
0xc3: {  	_ =	task.clear_ibuf [dreg:s8], $0x2FFFF;
	_ =	strace $0x9FFFFFFF  }
0xc4: {  	(tm) =	ssettm $0x7FFFFFFF  }
0xc5: {  	_ =	shalt  }
tec
execute0_lowered:
.L_overlay_start_1:
0x0: {  	(tag) =	ssettag $0x1  }
0x1: {  	s4 =	rddreg [dreg:$0x0]  }
0x2: {  	s2 =	rddreg [dreg:$0x1]  }
0x3: {  	s5 =	rddreg [dreg:$0x2]  }
0x4: {  	s3 =	srdreg.scid;
	s1 =	stileid.u32  }
0x5: {  	s0 =	rddreg [dreg:$0x3];
	s11 =	simm.s32 $0x0;
	s6 =	sand.u32 $0x1, s3  }
0x6: {  	s7 =	smul.u32 $0x2A0000, s1;
	s3 =	simm.s32 $0x0;
	s9 =	sshll.u32 s1, $0x1  }
0x7: {  	s8 =	smul.u32 $0x150000, s6;
	[smem:$0x7FF] =	sst s3;
	s10 =	ssub.s32 $0x2, s6  }
0x8: {  	s6 =	sor.u32 s6, s9;
	s9 =	simm.s32 $0x2A00;
	s31 =	sshrl.u32 s10, $0x1  }
0x9: {  	s6 =	smul.u32 $0x540, s6;
	_ =	strace $0x80000047;
	s7 =	sadd.s32 s8, s7  }
0xa: {  	s8 =	ssub.s32 s10, s31;
	s10 =	simm.s32 $0x1;
	s7 =	sshrl.u32 s7, $0x3  }
0xb: {  	s4 =	sadd.s32 s4, s6;
	s7 =	sadd.s32 s7, s5;
	s5 =	smax.u32 s8, $0x1  }
0xc: {  	s8 =	simm.s32 $0x80;
	s6 =	sadd.s32 $0x1200, s7;
	s7 =	simm.s32 $0x2  }
.LBB2_1:
0xd: {  	[tilespmem:s3], [sflag:$0x2] =	stream.linear.gather [hbm4b:s4+s3], $0x2A00, $0x38;
	[tilespmem:$0x6A00] =	vst v63  }
0xe: {  	_ =	swait.ge [sflag:s7], $0x2A00  }
0xf: {  	[sflag:s7] =	ssyncset.done $0x0  }
0x10: {  	s12 =	simm.s32 $0x0;
	[sflag:s7] =	ssyncadd.s32 $0xFFFFD600  }
0x11: {  	[tilespmem:s9], [sflag:$0x1] =	stream.indirect.gather [hbm4b:s2+s8], $0x80, s12, s8, $0xb8;
	[tilespmem:$0x6A00] =	vst v63  }
0x12: {  	_ =	swait.ge [sflag:s10], $0x4000  }
0x13: {  	[sflag:s10] =	ssyncset.done $0x0  }
0x14: {  	[sflag:s10] =	ssyncadd.s32 $0xFFFFC000  }
0x15: {  	[hbm4b:s6+s3] =	stream.linear.scatter [tilespmem:s9], [sflag:$0x2], $0x4000, $0x38;
	[tilespmem:$0x6A00] =	vst v63  }
0x16: {  	s13 =	simm.s32 $0x200;
	_ =	swait.ge [sflag:s7], $0x4000  }
0x17: {  	s14 =	simm.s32 $0x400;
	s12 =	sadd.s32 $0x800, s6;
	[sflag:s7] =	ssyncset.done $0x0  }
.LBB2_2:
0x18: {  	s15 =	sshra.s32 s13, $0x2  }
0x19: {  	[sflag:s7] =	ssyncadd.s32 $0xFFFFC000;
	s13 =	smov.u32 s14;
	s16 =	sadd.s32 $0x200, s14  }
0x1a: {  	[tilespmem:s9], [sflag:$0x1] =	stream.indirect.gather [hbm4b:s2+s8], $0x80, s15, s8, $0xb8;
	[tilespmem:$0x6A00] =	vst v63  }
0x1b: {  	p0 =	sne.s32 s14, $0xA600;
	_ =	swait.ge [sflag:s10], $0x4000  }
.Ltmp0:
0x1c: {  	[sflag:s10] =	ssyncset.done $0x0;
	(pc) =	sbr.rel @p0 .LBB2_2-.Ltmp0, $4  }
0x1d: {  	[sflag:s10] =	ssyncadd.s32 $0xFFFFC000  }
0x1e: {  	[hbm4b:s12+s3] =	stream.linear.scatter [tilespmem:s9], [sflag:$0x2], $0x4000, $0x38;
	[tilespmem:$0x6A00] =	vst v63  }
0x1f: {  	_ =	swait.ge [sflag:s7], $0x4000  }
0x20: {  	s14 =	smov.u32 s16;
	s12 =	sadd.s32 $0x800, s12;
	[sflag:s7] =	ssyncset.done $0x0  }
0x21: {  	s13 =	sshra.s32 s13, $0x2;
	[sflag:s7] =	ssyncadd.s32 $0xFFFFC000  }
0x22: {  	[tilespmem:s9], [sflag:$0x1] =	stream.indirect.gather [hbm4b:s2+s8], $0x80, s13, s8, $0xb8;
	[tilespmem:$0x6A00] =	vst v63  }
0x23: {  	s11 =	sadd.s32 $0x1, s11;
	_ =	swait.ge [sflag:s10], $0x4000  }
0x24: {  	p0 =	sne.s32 s11, s5;
	[sflag:s10] =	ssyncset.done $0x0  }
.Ltmp1:
0x25: {  	[sflag:s10] =	ssyncadd.s32 $0xFFFFC000;
	(pc) =	sbr.rel @p0 .LBB2_1-.Ltmp1, $4  }
0x26: {  	[hbm4b:s12+s3] =	stream.linear.scatter [tilespmem:s9], [sflag:$0x2], $0x4000, $0x38;
	[tilespmem:$0x6A00] =	vst v63  }
0x27: {  	_ =	swait.ge [sflag:s7], $0x4000  }
0x28: {  	[sflag:s7] =	ssyncset.done $0x0  }
0x29: {  	[sflag:s7] =	ssyncadd.s32 $0xFFFFC000  }
0x2a: {  	_ =	sfence.sel $0x180000  }
0x2b: {  	[bflag:$0x0] =	sbarrier.arrive $0xFFFF  }
0x2c: {  	p0 =	sne.s32 s1, $0x0;
	_ =	strace $0x90000047  }
0x2d: {  	s0 =	sadd.s32 @!p0 $0x100000, s0;
	[bflag:$0x2] =	sbarrier.arrive $0xFFFF  }
0x2e: {  	[sflag:s0] =	ssyncadd.tile.s32 @!p0 $0x1;
	_ =	shalt  }
.Lfunc_end2:
_tile_overlayer_lowered:
.L_overlay_start_2:
0x2f: {  	(tag) =	ssettag $0x2  }
0x30: {  	s0 =	rddreg [dreg:$0x0];
	s2 =	stileid.u32  }
0x31: {  	s1 =	rddreg [dreg:$0x1];
	p0 =	sne.s32 s2, $0x0  }
0x32: {  	s3 =	rddreg [dreg:$0x2];
	[bflag:$0x3] =	sbarrier.arrive $0xFFFF;
	s2 =	simm.s32 @!p0 $0x1C02  }
0x33: {  	[timem:s3], [sflag:s2] =	dma.local @!p0 [hbm:s0], s1  }
0x34: {  	s0 =	simm.s32 @!p0 $0x2  }
0x35: {  	_ =	swait.ge @!p0 [sflag:s0], s1  }
0x36: {  	s1 =	ssub.s32 @!p0 $0x0, s1;
	[sflag:s0] =	ssyncset.done @!p0 $0x0  }
0x37: {  	[sflag:s0] =	ssyncadd.s32 @!p0 s1  }
0x38: {  	[bflag:$0x3] =	sbarrier.arrive $0xFFFF  }
0x39: {  	_ =	shalt  }

</sc_bundles>
